<compile_context>
chip_gen: v7x
topology: tpu7x:2x2x1
jax: 0.10.2.dev20260603
libtpu: 0.0.44.dev20260713+nightly
codegen_flags: <defaults>
</compile_context>

<pallas_src>
import jax
import jax.numpy as jnp
from jax.experimental import pallas as pl
from jax.experimental.pallas import tpu as pltpu

P = 16320
L = P // 8

def _ka(mc_ref, o_ref):
    @pl.when(pl.program_id(0) == 0)
    def _i():
        o_ref[0, 0] = jnp.float32(0.0)
    o_ref[0, 0] += jnp.sum(mc_ref[0])

def _kb(mc_ref, o_ref):
    @pl.when(pl.program_id(0) == 0)
    def _i():
        o_ref[0, 0] = jnp.float32(0.0)
    o_ref[0, 0] += jnp.sum(mc_ref[0])

@jax.jit
def _impl(bi_loc_pred, bi_conf_pred, multi_loc_pred, multi_conf_pred, priors, targets):
    B = multi_conf_pred.shape[0]
    a = pl.pallas_call(
        _ka, grid=(B,),
        in_specs=[pl.BlockSpec((1, P, 21), lambda b: (b, 0, 0))],
        out_specs=pl.BlockSpec((1, 1), lambda b: (0, 0), memory_space=pltpu.SMEM),
        out_shape=jax.ShapeDtypeStruct((1, 1), jnp.float32),
    )(multi_conf_pred)
    mc_r = (multi_conf_pred * 2.0).reshape(B, L, 168)
    b = pl.pallas_call(
        _kb, grid=(B,),
        in_specs=[pl.BlockSpec((1, L, 168), lambda b2: (b2, 0, 0))],
        out_specs=pl.BlockSpec((1, 1), lambda b2: (0, 0), memory_space=pltpu.SMEM),
        out_shape=jax.ShapeDtypeStruct((1, 1), jnp.float32),
    )(mc_r)
    return a[0, 0], b[0, 0]

def kernel(*args):
    return _impl(*args)

# --- scband reference (transcript-rebuilt; emitter-appended) ---
"""Pipeline reference for scband-odmloss-82806969467257 (READ-ONLY COPY).

The authoritative reference and input builder live on the scoring server;
editing this copy changes nothing except your own understanding.
"""

import jax, jax.numpy as jnp
import numpy as np

NUM_CLASSES = 21
OVERLAP_THRESH = 0.5
NEG_POS_RATIO = 3
ARM_VARIANCE = (0.1, 0.2)
VARIANCE = (0.1, 0.2)
POS_PRIOR_THRESHOLD = 0.01


def point_form(boxes):
    return jnp.concatenate([boxes[:, :2] - boxes[:, 2:] / 2.0,
                            boxes[:, :2] + boxes[:, 2:] / 2.0], axis=1)


def intersect(box_a, box_b):
    max_xy = jnp.minimum(box_a[:, None, 2:], box_b[None, :, 2:])
    min_xy = jnp.maximum(box_a[:, None, :2], box_b[None, :, :2])
    inter = jnp.clip(max_xy - min_xy, 0.0, None)
    return inter[..., 0] * inter[..., 1]


def jaccard(box_a, box_b):
    inter = intersect(box_a, box_b)
    area_a = ((box_a[:, 2] - box_a[:, 0]) * (box_a[:, 3] - box_a[:, 1]))[:, None]
    area_b = ((box_b[:, 2] - box_b[:, 0]) * (box_b[:, 3] - box_b[:, 1]))[None, :]
    return inter / (area_a + area_b - inter)


def refine_priors(arm_loc, priors, variances):
    # decode ARM loc offsets onto the anchor priors -> per-image refined priors (center form)
    cxcy = priors[None, :, :2] + arm_loc[:, :, :2] * variances[0] * priors[None, :, 2:]
    wh = priors[None, :, 2:] * jnp.exp(arm_loc[:, :, 2:] * variances[1])
    return jnp.concatenate([cxcy, wh], axis=-1)


def encode(matched, priors, variances):
    g_cxcy = ((matched[:, :2] + matched[:, 2:]) / 2.0 - priors[:, :2]) / (variances[0] * priors[:, 2:])
    g_wh = jnp.log((matched[:, 2:] - matched[:, :2]) / priors[:, 2:]) / variances[1]
    return jnp.concatenate([g_cxcy, g_wh], axis=1)


def match_one(truths, labels, priors_c):
    overlaps = jaccard(truths, point_form(priors_c))
    best_prior_idx = jnp.argmax(overlaps, axis=1)
    best_truth_overlap = jnp.max(overlaps, axis=0)
    best_truth_idx = jnp.argmax(overlaps, axis=0)
    best_truth_overlap = best_truth_overlap.at[best_prior_idx].set(2.0)
    best_truth_idx = best_truth_idx.at[best_prior_idx].set(jnp.arange(truths.shape[0]))
    matches = truths[best_truth_idx]
    conf = labels[best_truth_idx].astype(jnp.int32) + 1
    conf = jnp.where(best_truth_overlap < OVERLAP_THRESH, 0, conf)
    loc = encode(matches, priors_c, VARIANCE)
    return loc, conf


def log_sum_exp(x):
    x_max = jnp.max(x, axis=1, keepdims=True)
    return jnp.log(jnp.sum(jnp.exp(x - x_max), axis=1, keepdims=True)) + x_max


def odm_loss(bi_loc_pred, bi_conf_pred, multi_loc_pred, multi_conf_pred, priors, targets):
    arm_loc_data = jax.lax.stop_gradient(bi_loc_pred)
    arm_score = jax.nn.softmax(jax.lax.stop_gradient(bi_conf_pred), axis=-1)
    priors_d = jax.lax.stop_gradient(priors)
    targets_d = jax.lax.stop_gradient(targets)
    num = multi_loc_pred.shape[0]
    num_priors = priors.shape[0]
    refined = refine_priors(arm_loc_data, priors_d, ARM_VARIANCE)
    truths = targets_d[:, :, :4]
    labels = targets_d[:, :, 4]
    loc_t, conf_t = jax.vmap(match_one)(truths, labels, refined)
    loc_t = jax.lax.stop_gradient(loc_t)
    conf_t = jax.lax.stop_gradient(conf_t)
    pos = conf_t > 0
    # localization: smooth L1 over positive priors, sum reduction
    diff = multi_loc_pred - loc_t
    abs_d = jnp.abs(diff)
    sl1 = jnp.where(abs_d < 1.0, 0.5 * diff * diff, abs_d - 0.5)
    loss_l = jnp.sum(sl1 * pos[:, :, None].astype(sl1.dtype))
    # confidence: hard negative mining via rank of per-anchor CE
    batch_conf = multi_conf_pred.reshape(-1, NUM_CLASSES)
    lse = log_sum_exp(batch_conf)[:, 0]
    gathered = jnp.take_along_axis(batch_conf, conf_t.reshape(-1, 1), axis=1)[:, 0]
    ce_all = (lse - gathered).reshape(num, num_priors)
    loss_c_rank = jnp.where(pos, 0.0, ce_all)
    ignore_neg_flag = (conf_t <= 0) & (arm_score[:, :, 1] < POS_PRIOR_THRESHOLD)
    loss_c_rank = jnp.where(ignore_neg_flag, 0.0, loss_c_rank)
    loss_idx = jnp.argsort(-loss_c_rank, axis=1)
    idx_rank = jnp.argsort(loss_idx, axis=1)
    num_pos = jnp.sum(pos.astype(jnp.int32), axis=1, keepdims=True)
    num_neg = jnp.clip(NEG_POS_RATIO * num_pos, None, num_priors - 1)
    neg = idx_rank < num_neg
    sel = (pos | neg).astype(ce_all.dtype)
    loss_c = jnp.sum(ce_all * sel)
    total_num = jnp.sum(num_pos).astype(jnp.float32)
    return loss_l / total_num, loss_c / total_num


def setup_inputs(seed: int = 0):
    key = jax.random.key(seed)
    ks = jax.random.split(key, 8)
    B, P, C, T = 32, 16320, 21, 8
    bi_loc_pred = jax.random.normal(ks[0], (B, P, 4), dtype=jnp.float32) * 0.5
    bi_conf_pred = jax.random.normal(ks[1], (B, P, 2), dtype=jnp.float32)
    multi_loc_pred = jax.random.normal(ks[2], (B, P, 4), dtype=jnp.float32)
    multi_conf_pred = jax.random.normal(ks[3], (B, P, C), dtype=jnp.float32)
    p_cxcy = jax.random.uniform(ks[4], (P, 2), minval=0.05, maxval=0.95)
    p_wh = jax.random.uniform(ks[5], (P, 2), minval=0.02, maxval=0.3)
    priors = jnp.concatenate([p_cxcy, p_wh], axis=1).astype(jnp.float32)
    t_cxcy = jax.random.uniform(ks[6], (B, T, 2), minval=0.15, maxval=0.85)
    t_wh = jax.random.uniform(ks[7], (B, T, 2), minval=0.05, maxval=0.3)
    boxes = jnp.concatenate([t_cxcy - t_wh / 2.0, t_cxcy + t_wh / 2.0], axis=-1)
    lbl = jax.random.randint(jax.random.fold_in(key, 7), (B, T, 1), 0, C - 1).astype(jnp.float32)
    targets = jnp.concatenate([boxes, lbl], axis=-1).astype(jnp.float32)
    return {"bi_loc_pred": bi_loc_pred, "bi_conf_pred": bi_conf_pred,
            "multi_loc_pred": multi_loc_pred, "multi_conf_pred": multi_conf_pred,
            "priors": priors, "targets": targets}


def reference(bi_loc_pred, bi_conf_pred, multi_loc_pred, multi_conf_pred, priors, targets):
    return odm_loss(bi_loc_pred, bi_conf_pred, multi_loc_pred, multi_conf_pred, priors, targets)

if __name__ == "__main__":
    import jax
    _d = setup_inputs()
    print(jax.jit(kernel)(*tuple(_d.values())))

</pallas_src>

<mosaic_0001>
module attributes {stable_mosaic.version = 14 : i64} {
  func.func @_ka(%arg0: i32, %arg1: memref<1x16320x21xf32, #tpu.memory_space<vmem>>, %arg2: memref<1x1xf32, #tpu.memory_space<smem>>) attributes {dimension_semantics = [#tpu.dimension_semantics<arbitrary>], iteration_bounds = array<i64: 32>, scalar_prefetch = 0 : i64, scratch_operands = 0 : i64, tpu.core_type = #tpu.core_type<tc>, window_params = [{transform_indices = @transform_0, window_bounds = array<i64: 1, 16320, 21>}, {transform_indices = @transform_1, window_bounds = array<i64: 1, 1>}]} {
    %eq3A = arith.constant 0 : i32
    %eq3A_0 = arith.cmpi eq, %arg0, %eq3A : i32
    %convert_element_type3A = arith.extui %eq3A_0 : i1 to i32
    %cond3A = arith.constant 0 : i32
    %cond3A_1 = arith.cmpi ne, %convert_element_type3A, %cond3A : i32
    scf.if %cond3A_1 {
      %swap3A_15 = arith.constant 0.000000e+00 : f32
      %swap3A_16 = arith.constant 0 : index
      %swap3A_17 = arith.constant 0 : index
      %swap3A_18 = memref.load %arg2[%swap3A_16, %swap3A_17] : memref<1x1xf32, #tpu.memory_space<smem>>
      memref.store %swap3A_15, %arg2[%swap3A_16, %swap3A_17] : memref<1x1xf32, #tpu.memory_space<smem>>
    } else {
    }
    %get3A = arith.constant 0 : index
    %get3A_2 = arith.constant 0 : index
    %get3A_3 = memref.load %arg2[%get3A, %get3A_2] : memref<1x1xf32, #tpu.memory_space<smem>>
    %get3A_4 = arith.constant 0 : index
    %get3A_5 = arith.constant 0 : index
    %get3A_6 = arith.constant 0 : index
    %get3A_7 = vector.load %arg1[%get3A_4, %get3A_5, %get3A_6] : memref<1x16320x21xf32, #tpu.memory_space<vmem>>, vector<1x16320x21xf32>
    %get3A_8 = vector.shape_cast %get3A_7 : vector<1x16320x21xf32> to vector<16320x21xf32>
    %reduce_sum3A = vector.shape_cast %get3A_8 : vector<16320x21xf32> to vector<1x16320x21xf32>
    %reduce_sum3A_9 = arith.constant dense<0.000000e+00> : vector<1xf32>
    %reduce_sum3A_10 = vector.multi_reduction <add>, %reduce_sum3A, %reduce_sum3A_9 [1, 2] : vector<1x16320x21xf32> to vector<1xf32>
    %reduce_sum3A_11 = vector.shape_cast %reduce_sum3A_10 : vector<1xf32> to vector<1x1x1xf32>
    %reduce_sum3A_12 = vector.extract %reduce_sum3A_11[0, 0, 0] : f32 from vector<1x1x1xf32>
    %add3A = arith.addf %get3A_3, %reduce_sum3A_12 : f32
    %swap3A = arith.constant 0 : index
    %swap3A_13 = arith.constant 0 : index
    %swap3A_14 = memref.load %arg2[%swap3A, %swap3A_13] : memref<1x1xf32, #tpu.memory_space<smem>>
    memref.store %add3A, %arg2[%swap3A, %swap3A_13] : memref<1x1xf32, #tpu.memory_space<smem>>
    return
  }
  func.func @transform_0(%arg0: i32) -> (i32, i32, i32) {
    %c0_i32 = arith.constant 0 : i32
    %c0_i32_0 = arith.constant 0 : i32
    %c0_i32_1 = arith.constant 0 : i32
    return %arg0, %c0_i32, %c0_i32_0 : i32, i32, i32
  }
  func.func @transform_1(%arg0: i32) -> (i32, i32) {
    %c0_i32 = arith.constant 0 : i32
    %c0_i32_0 = arith.constant 0 : i32
    %c0_i32_1 = arith.constant 0 : i32
    return %c0_i32, %c0_i32_0 : i32, i32
  }
}

module attributes {stable_mosaic.version = 14 : i64} {
  func.func @_kb(%arg0: i32, %arg1: memref<1x2040x168xf32, #tpu.memory_space<vmem>>, %arg2: memref<1x1xf32, #tpu.memory_space<smem>>) attributes {dimension_semantics = [#tpu.dimension_semantics<arbitrary>], iteration_bounds = array<i64: 32>, scalar_prefetch = 0 : i64, scratch_operands = 0 : i64, tpu.core_type = #tpu.core_type<tc>, window_params = [{transform_indices = @transform_0, window_bounds = array<i64: 1, 2040, 168>}, {transform_indices = @transform_1, window_bounds = array<i64: 1, 1>}]} {
    %eq3A = arith.constant 0 : i32
    %eq3A_0 = arith.cmpi eq, %arg0, %eq3A : i32
    %convert_element_type3A = arith.extui %eq3A_0 : i1 to i32
    %cond3A = arith.constant 0 : i32
    %cond3A_1 = arith.cmpi ne, %convert_element_type3A, %cond3A : i32
    scf.if %cond3A_1 {
      %swap3A_15 = arith.constant 0.000000e+00 : f32
      %swap3A_16 = arith.constant 0 : index
      %swap3A_17 = arith.constant 0 : index
      %swap3A_18 = memref.load %arg2[%swap3A_16, %swap3A_17] : memref<1x1xf32, #tpu.memory_space<smem>>
      memref.store %swap3A_15, %arg2[%swap3A_16, %swap3A_17] : memref<1x1xf32, #tpu.memory_space<smem>>
    } else {
    }
    %get3A = arith.constant 0 : index
    %get3A_2 = arith.constant 0 : index
    %get3A_3 = memref.load %arg2[%get3A, %get3A_2] : memref<1x1xf32, #tpu.memory_space<smem>>
    %get3A_4 = arith.constant 0 : index
    %get3A_5 = arith.constant 0 : index
    %get3A_6 = arith.constant 0 : index
    %get3A_7 = vector.load %arg1[%get3A_4, %get3A_5, %get3A_6] : memref<1x2040x168xf32, #tpu.memory_space<vmem>>, vector<1x2040x168xf32>
    %get3A_8 = vector.shape_cast %get3A_7 : vector<1x2040x168xf32> to vector<2040x168xf32>
    %reduce_sum3A = vector.shape_cast %get3A_8 : vector<2040x168xf32> to vector<1x2040x168xf32>
    %reduce_sum3A_9 = arith.constant dense<0.000000e+00> : vector<1xf32>
    %reduce_sum3A_10 = vector.multi_reduction <add>, %reduce_sum3A, %reduce_sum3A_9 [1, 2] : vector<1x2040x168xf32> to vector<1xf32>
    %reduce_sum3A_11 = vector.shape_cast %reduce_sum3A_10 : vector<1xf32> to vector<1x1x1xf32>
    %reduce_sum3A_12 = vector.extract %reduce_sum3A_11[0, 0, 0] : f32 from vector<1x1x1xf32>
    %add3A = arith.addf %get3A_3, %reduce_sum3A_12 : f32
    %swap3A = arith.constant 0 : index
    %swap3A_13 = arith.constant 0 : index
    %swap3A_14 = memref.load %arg2[%swap3A, %swap3A_13] : memref<1x1xf32, #tpu.memory_space<smem>>
    memref.store %add3A, %arg2[%swap3A, %swap3A_13] : memref<1x1xf32, #tpu.memory_space<smem>>
    return
  }
  func.func @transform_0(%arg0: i32) -> (i32, i32, i32) {
    %c0_i32 = arith.constant 0 : i32
    %c0_i32_0 = arith.constant 0 : i32
    %c0_i32_1 = arith.constant 0 : i32
    return %arg0, %c0_i32, %c0_i32_0 : i32, i32, i32
  }
  func.func @transform_1(%arg0: i32) -> (i32, i32) {
    %c0_i32 = arith.constant 0 : i32
    %c0_i32_0 = arith.constant 0 : i32
    %c0_i32_1 = arith.constant 0 : i32
    return %c0_i32, %c0_i32_0 : i32, i32
  }
}

</mosaic_0001>

<sc_bundles>
// kernel: sparse-core-data-format-call.cloned.1.call-start
scs
called_computation_lowered:
.L_overlay_start_0:
0x0: {  	s1 =	sld [smem:$0x3FD9]  }
0x1: {  	s2 =	sld [smem:$0x3FFE];
	_ =	sdelay $0x1  }
0x2: {  	s3 =	srdreg.scid  }
0x3: {  	s0 =	sand.u32 $0x1, s3  }
0x4: {  	s17 =	sshll.u32 s0, $0xA;
	s1 =	sadd.s32 s2, s1  }
0x5: {  	s1 =	sadd.s32 s1, s17  }
0x6: {  	[smem:$0x3FC7] =	sst s1  }
0x7: {  	_ = 	snop  }
0x8: {  	(tm) =	ssettm $0x1  }
0x9: {  	s18 =	sld [smem:$0x3FFB];
	_ =	sdelay $0x3  }
0xa: {  	_ =	strace s18  }
0xb: {  	s1 =	sld [smem:$0x3FFC];
	_ =	sdelay $0x3  }
0xc: {  	_ =	strace s1  }
0xd: {  	s1 =	sld [smem:$0x3FFD];
	_ =	sdelay $0x3  }
0xe: {  	_ =	strace s1  }
0xf: {  	_ =	strace $0x8FFFFFFF  }
0x10: {  	s19 =	sld [smem:$0x3FDB];
	_ =	sdelay $0x1  }
0x11: {  	s20 =	simm.s32 $_scs_section_size  }
0x12: {  	s4 =	simm.s32 $_size__tile_overlayer_lowered;
	s5 =	simm.s32 $_tile_overlayer_lowered  }
0x13: {  	s23 =	simm.s32 $0x1BFF;
	s22 =	sshll.u32 s5, $0x1;
	s1 =	sadd.s32 s20, s19  }
0x14: {  	s6 =	simm.s32 $0x0;
	s21 =	sshll.u32 s4, $0x1;
	s4 =	sadd.s32 s22, s1  }
0x15: {  	[timem:s6], [sflag:s23] =	dma.local [hbm:s4], s21  }
0x16: {  	_ =	swait.ge [sflag:s23], s21  }
0x17: {  	s2 =	ssub.s32 $0x0, s21;
	[sflag:s23] =	ssyncset.done $0x0  }
0x18: {  	[sflag:s23] =	ssyncadd.s32 s2;
	_ =	sdelay $0x1  }
0x19: {  	s24 =	simm.s32 $0x1B8B  }
0x1a: {  	_ =	swait.ge [sflag:s24], $0x1  }
0x1b: {  	[sflag:s24] =	ssyncset.done $0x0  }
0x1c: {  	s26 =	simm.s32 $0x1B8E;
	s25 =	sld [smem:$0x3FFE];
	[sflag:s24] =	ssyncadd.s32 $0xFFFFFFFF  }
0x1d: {  	s27 =	simm.s32 $execute0_lowered;
	[smem:$0x3FD2] =	sst s26  }
0x1e: {  	s4 =	sshll.u32 s27, $0x1;
	_ =	strace $0x80000046;
	[dreg:$0x1] =	wrdreg $0xFFFFFFFF  }
0x1f: {  	s28 =	simm.s32 $_size_execute0_lowered;
	s1 =	sadd.s32 s1, s4;
	[dreg:$0x0] =	wrdreg $0x0  }
0x20: {  	s4 =	sshll.u32 s28, $0x1;
	[dreg:$0x2] =	wrdreg s1  }
0x21: {  	[dreg:$0x3] =	wrdreg s4  }
0x22: {  	[dreg:$0x4] =	wrdreg $0xC0  }
0x23: {  	_ =	task [dreg:s6], $0x5FFFF  }
0x24: {  	[dreg:$0x1] =	wrdreg $0xFFFFFFFF  }
0x25: {  	[dreg:$0x0] =	wrdreg $0x60  }
0x26: {  	[dreg:$0x2] =	wrdreg s25  }
0x27: {  	[dreg:$0x3] =	wrdreg $0x9  }
0x28: {  	_ =	task.clear_ibuf [dreg:s6], $0x4FFFF;
	_ =	strace $0x90000046  }
0x29: {  	s29 =	simm.s32 $0x9;
	_ =	strace $0x80000048  }
0x2a: {  	_ =	swait.ge [sflag:s29], $0x1  }
0x2b: {  	[sflag:s29] =	ssyncadd.s32 $0xFFFFFFFF  }
0x2c: {  	_ =	strace $0x90000048  }
0x2d: {  	_ =	sfence  }
0x2e: {  	s30 =	sld [smem:$0x0];
	_ =	sdelay $0x2  }
0x2f: {  	s31 =	sshll.u32 s3, $0xD;
	s3 =	sshrl.u32 s3, $0x2  }
0x30: {  	s2 =	sand.u32 $0x4000, s31;
	s1 =	sadd.s32 s3, s30  }
0x31: {  	s0 =	sor.u32 s2, s0;
	s1 =	sshll.u32 s1, $0x11  }
0x32: {  	s0 =	sor.u32 s1, s0  }
0x33: {  	s0 =	sadd.s32 $0x8F2B, s0  }
0x34: {  	[sflag:s0] =	ssyncadd.remote.s32 $0x1  }
0x35: {  	_ =	sfence.sel $0xFFFF  }
0x36: {  	[dreg:$0x0] =	wrdreg $0xFFFFFFFF;
	(pc) =	sbr.abs _section_cstart, $3  }
0x37: {  	[dreg:$0x1] =	wrdreg $0xFFFFFFFF  }
0x38: {  	_ =	task.clear_ibuf [dreg:s6], $0x2FFFF;
	_ =	strace $0x9FFFFFFF  }
0x39: {  	(tm) =	ssettm $0x7FFFFFFF  }
tec
execute0_lowered:
.L_overlay_start_1:
0x0: {  	(tag) =	ssettag $0x1  }
0x1: {  	s0 =	rddreg [dreg:$0x0];
	_ =	strace $0x80000047;
	s30 =	srdreg.scid  }
0x2: {  	s2 =	stileid.u32;
	s1 =	simm.s32 $0x1;
	s31 =	simm.s32 $0x2  }
0x3: {  	s15 =	simm.s32 $0x0;
	s17 =	simm.s32 $0x0;
	s16 =	simm.s32 $0x0  }
0x4: {  	s9 =	simm.s32 $0x0;
	s10 =	simm.s32 $0x0;
	s12 =	simm.s32 $0x0  }
.Ltmp0:
0x5: {  	s6 =	sadd.s32 $0x400, s0;
	s0 =	sadd.s32 $0x150400, s0;
	(pc) =	sbr.rel .LBB1_1-.Ltmp0, $4  }
0x6: {  	s11 =	simm.s32 $0x0;
	[dreg:$0x3] =	wrdreg s0;
	s0 =	sshll.u32 s30, $0x4  }
0x7: {  	s14 =	simm.s32 $0x0;
	s8 =	simm.s32 $0x0;
	s0 =	sand.u32 $0x10, s0  }
0x8: {  	[sflag:s1] =	ssyncpa.u1 $0x0;
	[dreg:$0x2] =	wrdreg s6;
	s7 =	sor.u32 s2, s0  }
0x9: {  	[sflag:s31] =	ssyncpa.u1 $0x0;
	s13 =	smov.u32 s7;
	[dreg:$0x4] =	wrdreg s7  }
.LBB1_14:
0xa: {  	s9 =	rddreg [dreg:$0x5]  }
0xb: {  	s12 =	rddreg [dreg:$0x8]  }
0xc: {  	s3 =	rddreg [dreg:$0xe]  }
0xd: {  	s5 =	rddreg [dreg:$0x10]  }
0xe: {  	s23 =	rddreg [dreg:$0xf]  }
0xf: {  	s10 =	rddreg [dreg:$0x6]  }
0x10: {  	s26 =	rddreg [dreg:$0x3]  }
0x11: {  	s29 =	rddreg [dreg:$0x11]  }
0x12: {  	s6 =	rddreg [dreg:$0x2]  }
0x13: {  	s7 =	rddreg [dreg:$0x4]  }
0x14: {  	s11 =	rddreg [dreg:$0x7]  }
0x15: {  	s13 =	rddreg [dreg:$0x9]  }
0x16: {  	s14 =	rddreg [dreg:$0xa]  }
0x17: {  	s15 =	rddreg [dreg:$0xb]  }
0x18: {  	s16 =	rddreg [dreg:$0xc]  }
0x19: {  	s31 =	simm.s32 $0x80;
	s17 =	rddreg [dreg:$0xd]  }
0x1a: {  	s0 =	sshll.u32 s9, $0x7;
	s1 =	sshll.u32 s12, $0x3;
	p0 =	sgt.s32 s12, $0x78  }
0x1b: {  	s24 =	smul.u32 $0x3FC00, s10;
	s2 =	sand.u32 $0xFFFFFC00, s0;
	s1 =	sand.u32 $0xFFFFFC00, s1  }
0x1c: {  	s0 =	sand.u32 $0x380, s0;
	s1 =	sadd.s32 s1, s2;
	s2 =	smov.u32 s12  }
0x1d: {  	s0 =	sor.u32 s0, s1;
	s2 =	simm.s32 @!p0 $0x78;
	p0 =	sgt.s32 s9, $0x3F40  }
0x1e: {  	s1 =	smov.u32 s9;
	s0 =	sshrl.u32 s0, $0x7;
	s2 =	sadd.s32 s3, s2  }
0x1f: {  	s1 =	simm.s32 @!p0 $0x3F40;
	s21 =	smulhi.u32 $0x2020203, s0;
	s4 =	sadd.s32 $0xFFFFFF88, s2  }
0x20: {  	s1 =	sadd.s32 s5, s1;
	s2 =	ssub.s32 $0x80, s2;
	p0 =	sgt.s32 s4, $0x7  }
0x21: {  	s22 =	sadd.s32 $0xFFFFC0C0, s1;
	s1 =	ssub.s32 $0x3FC0, s1;
	s2 =	simm.s32 @p0 $0x0  }
0x22: {  	s3 =	sshrl.u32 s21, $0x7;
	p0 =	sgt.s32 s22, $0x7F;
	s2 =	smul.u32 s2, s23  }
0x23: {  	s27 =	sand.u32 $0x7, s12;
	s3 =	smul.u32 $0x3FC0, s3;
	s1 =	simm.s32 @p0 $0x0  }
0x24: {  	s25 =	sshrl.u32 s12, $0x3;
	s28 =	sshll.u32 s27, $0x12;
	s1 =	smul.u32 s1, s2  }
0x25: {  	s0 =	ssub.s32 s0, s3;
	s3 =	sand.u32 $0xF, s25;
	s2 =	sadd.s32 s26, s24  }
0x26: {  	s30 =	sor.u32 $0x8, s28;
	s0 =	sshll.u32 s0, $0x4;
	s2 =	sadd.s32 s3, s2  }
0x27: {  	s4 =	sor.u32 $0x800, s29;
	s1 =	sand.u32 $0x3FFFFFFF, s1;
	s0 =	sadd.s32 s0, s2  }
0x28: {  	[hbm4b:s0+s30] =	stream.strided.scatter [tilespmem:s4], [sflag:$0x2], s1, s31, s30, $0x0;
	[tilespmem:$0x1100] =	vst v63  }
.LBB1_15:
0x29: {  	p0 =	slt.u32 s8, $0x2  }
0x2a: {  	p1 =	sgt.s32 @!p0 s17, $0x1F  }
0x2b: {  	s0 =	smov.u32 s17;
	s1 =	sshra.s32 @!p0 s17, $0x1F;
	p1 =	por !p1, p0  }
0x2c: {  	s1 =	sand.u32 @!p0 s1, s17;
	s0 =	simm.s32 @p1 $0x1F  }
0x2d: {  	s3 =	smov.u32 s15;
	s0 =	ssub.s32 @!p0 s0, s1  }
0x2e: {  	p2 =	sgt.s32 @!p0 s16, $0x78;
	s2 =	sshra.s32 @!p0 s16, $0x1F;
	s1 =	sadd.s32 @!p0 $0xFFFFFFE1, s0  }
0x2f: {  	p2 =	por !p2, p0;
	p1 =	sgt.s32 @!p0 s1, $0x0;
	s1 =	smov.u32 s16  }
0x30: {  	s2 =	sand.u32 @!p0 s2, s16;
	s1 =	simm.s32 @p2 $0x78;
	p2 =	sgt.s32 @!p0 s15, $0x3F40  }
0x31: {  	s0 =	ssub.s32 @!p0 $0x20, s0;
	p1 =	por !p1, p0;
	p2 =	por !p2, p0  }
0x32: {  	s1 =	ssub.s32 @!p0 s1, s2;
	s2 =	sshra.s32 @!p0 s15, $0x1F;
	s0 =	simm.s32 @!p1 $0x0  }
0x33: {  	s3 =	simm.s32 @p2 $0x3F40;
	s2 =	sand.u32 @!p0 s2, s15;
	s4 =	sadd.s32 @!p0 $0xFFFFFF88, s1  }
0x34: {  	s1 =	ssub.s32 @!p0 $0x80, s1;
	s2 =	ssub.s32 @!p0 s3, s2;
	p1 =	sgt.s32 @!p0 s4, $0x7  }
0x35: {  	s4 =	smov.u32 s13;
	s3 =	sadd.s32 @!p0 $0xFFFFC0C0, s2;
	p1 =	por !p1, p0  }
0x36: {  	s2 =	ssub.s32 @!p0 $0x3FC0, s2;
	p2 =	sgt.s32 @!p0 s3, $0x7F;
	s1 =	simm.s32 @!p1 $0x0  }
0x37: {  	p1 =	por !p2, p0;
	s0 =	smul.u32 @!p0 s1, s0;
	s1 =	sadd.s32 $0x80, s11  }
0x38: {  	s3 =	sadd.s32 $0x20, s13;
	s2 =	simm.s32 @!p1 $0x0;
	p1 =	sgt.s32 s1, $0x3FBF  }
0x39: {  	s0 =	smul.u32 @!p0 s2, s0;
	s4 =	smov.u32 @p1 s3  }
0x3a: {  	s2 =	sadd.s32 $0x8, s14;
	s3 =	smov.u32 s14;
	p2 =	sgt.s32 s4, $0x1F  }
0x3b: {  	s8 =	sadd.s32 $0x1, s8;
	s3 =	smov.u32 @p2 s2  }
0x3c: {  	s17 =	smov.u32 s10;
	s1 =	simm.s32 @p1 $0x0;
	p1 =	sgt.s32 s3, $0x14  }
0x3d: {  	s10 =	smov.u32 s13;
	s3 =	simm.s32 @p1 $0x0;
	p1 =	sne.s32 s8, $0x182  }
.Ltmp1:
0x3e: {  	s16 =	smov.u32 s12;
	s12 =	smov.u32 s14;
	(pc) =	sbr.rel @!p1 .LBB1_16-.Ltmp1, $4  }
0x3f: {  	s15 =	smov.u32 s9;
	s0 =	sand.u32 @!p0 $0x3FFFFFFF, s0;
	s2 =	simm.s32 @!p0 $0x2  }
0x40: {  	s9 =	smov.u32 s11;
	s11 =	smov.u32 s1;
	_ =	swait.ge @!p0 [sflag:s2], s0  }
0x41: {  	s4 =	smov.u32 @p2 s7;
	s0 =	ssub.s32 @!p0 $0x0, s0;
	[sflag:s2] =	ssyncset.done @!p0 $0x0  }
0x42: {  	s13 =	smov.u32 s4;
	[sflag:s2] =	ssyncadd.s32 @!p0 s0;
	s14 =	smov.u32 s3  }
.LBB1_1:
0x43: {  	p0 =	sgt.u32 s8, $0x17F  }
0x44: {  	p1 =	sgt.s32 @!p0 s14, $0xD  }
0x45: {  	s0 =	smov.u32 s14;
	s1 =	sshra.s32 @!p0 s14, $0x1F;
	p1 =	por !p1, p0  }
0x46: {  	s1 =	sand.u32 @!p0 s1, s14;
	s0 =	simm.s32 @p1 $0xD  }
0x47: {  	s2 =	smov.u32 s13;
	p1 =	sgt.s32 @!p0 s13, $0x1F;
	s0 =	ssub.s32 @!p0 s0, s1  }
0x48: {  	s4 =	smov.u32 s11;
	p1 =	por !p1, p0;
	s1 =	sadd.s32 @!p0 $0xFFFFFFF3, s0  }
0x49: {  	s2 =	simm.s32 @p1 $0x1F;
	p1 =	sgt.s32 @!p0 s1, $0x7;
	s1 =	sshra.s32 @!p0 s13, $0x1F  }
0x4a: {  	s0 =	ssub.s32 @!p0 $0x15, s0;
	p1 =	por !p1, p0;
	s1 =	sand.u32 @!p0 s1, s13  }
0x4b: {  	s0 =	simm.s32 @!p1 $0x0;
	s1 =	ssub.s32 @!p0 s2, s1;
	p1 =	sgt.s32 @!p0 s11, $0x3F80  }
0x4c: {  	s5 =	sshll.u32 @!p0 s13, $0xE;
	s3 =	sadd.s32 @!p0 $0xFFFFFFE1, s1;
	p1 =	por !p1, p0  }
0x4d: {  	s4 =	simm.s32 @p1 $0x3F80;
	p1 =	sgt.s32 @!p0 s3, $0x0;
	s3 =	sshra.s32 @!p0 s11, $0x1F  }
0x4e: {  	s1 =	ssub.s32 @!p0 $0x20, s1;
	p1 =	por !p1, p0;
	s3 =	sand.u32 @!p0 s3, s11  }
0x4f: {  	s2 =	sxor.u32 @!p0 $0xFFFFFFFF, s8;
	s1 =	simm.s32 @!p1 $0x0;
	s3 =	ssub.s32 @!p0 s4, s3  }
0x50: {  	s2 =	sshll.u32 @!p0 s2, $0xA;
	s0 =	smul.u32 @!p0 s0, s1;
	s1 =	sadd.s32 @!p0 $0xFFFFC080, s3  }
0x51: {  	s5 =	sand.u32 @!p0 $0x60000, s5;
	s2 =	sand.u32 @!p0 $0x400, s2;
	p1 =	sgt.s32 @!p0 s1, $0x7F  }
0x52: {  	s3 =	ssub.s32 @!p0 $0x4000, s3;
	s1 =	sshll.u32 @!p0 s13, $0x7;
	p1 =	por !p1, p0  }
0x53: {  	s4 =	sand.u32 @!p0 $0x78, s11;
	s1 =	sand.u32 @!p0 $0x380, s1;
	s3 =	simm.s32 @!p1 $0x0  }
0x54: {  	s1 =	sor.u32 @!p0 s1, s4;
	s4 =	sshll.u32 @!p0 s11, $0x3;
	s0 =	smul.u32 @!p0 s3, s0  }
0x55: {  	s3 =	sand.u32 @!p0 $0x3C00, s4;
	s4 =	sadd.s32 @!p0 s5, s4;
	s5 =	sand.u32 @!p0 $0x7, s11  }
0x56: {  	s1 =	sor.u32 @!p0 s3, s1;
	s3 =	sshll.u32 @!p0 s14, $0x10;
	s4 =	sshrl.u32 @!p0 s4, $0x3  }
0x57: {  	s0 =	sand.u32 @!p0 $0x3FFFFFFF, s0;
	s4 =	sand.u32 @!p0 $0xF800, s4;
	s3 =	sadd.s32 @!p0 s6, s3  }
0x58: {  	s1 =	sshrl.u32 @!p0 s1, $0x3;
	s3 =	sadd.s32 @!p0 s4, s3;
	s4 =	sshll.u32 @!p0 s5, $0x12  }
0x59: {  	s1 =	sadd.s32 @!p0 s1, s3;
	s3 =	sor.u32 @!p0 $0x80, s4;
	s4 =	simm.s32 @!p0 $0x80000  }
0x5a: {  	[tilespmem:s2], [sflag:$0x1] =	stream.strided.gather @!p0 [hbm4b:s1+s3], s0, s4, s3, $0x38;
	[tilespmem:$0x1100] =	vst v63  }
0x5b: {  	p0 =	seq.s32 s8, $0x0  }
0x5c: {  	p1 =	seq.s32 @!p0 s8, $0x181  }
0x5d: {  	p0 =	por p0, p1  }
.Ltmp2:
0x5e: {  	_ = 	snop;
	(pc) =	sbr.rel @p0 .LBB1_15-.Ltmp2, $1  }
0x5f: {  	_ =	sdelay $0x3  }
0x60: {  	[dreg:$0xd] =	wrdreg s17  }
0x61: {  	[dreg:$0xc] =	wrdreg s16  }
0x62: {  	[dreg:$0xb] =	wrdreg s15;
	s0 =	ssub.s32 $0x0, s12;
	s1 =	sshra.s32 s12, $0x1F  }
0x63: {  	p0 =	sgt.s32 s12, $0xD;
	s2 =	smov.u32 s12;
	s27 =	sshra.s32 s10, $0x1F  }
0x64: {  	p1 =	sgt.s32 s9, $0x3F80;
	s4 =	ssub.s32 $0x0, s9;
	s5 =	sshra.s32 s9, $0x1F  }
0x65: {  	s0 =	sand.u32 s0, s1;
	s2 =	simm.s32 @!p0 $0xD;
	p0 =	sgt.s32 s10, $0x1F  }
0x66: {  	s1 =	smov.u32 s10;
	s28 =	sand.u32 s4, s5;
	[dreg:$0xe] =	wrdreg s0  }
0x67: {  	s0 =	sadd.s32 s0, s2;
	s1 =	simm.s32 @!p0 $0x1F;
	s2 =	sand.u32 s27, s10  }
0x68: {  	s3 =	sadd.s32 $0xFFFFFFF3, s0;
	s1 =	ssub.s32 s1, s2;
	s0 =	ssub.s32 $0x15, s0  }
0x69: {  	p0 =	sgt.s32 s3, $0x7;
	s2 =	sadd.s32 $0xFFFFFFE1, s1;
	s3 =	smov.u32 s9  }
0x6a: {  	s3 =	simm.s32 @!p1 $0x3F80;
	p1 =	sgt.s32 s2, $0x0;
	s2 =	ssub.s32 $0x20, s1  }
0x6b: {  	s0 =	simm.s32 @p0 $0x0;
	s2 =	simm.s32 @p1 $0x0;
	s1 =	sadd.s32 s28, s3  }
0x6c: {  	[dreg:$0xf] =	wrdreg s2;
	s0 =	smul.u32 s0, s2;
	s29 =	sadd.s32 $0xFFFFC080, s1  }
0x6d: {  	s1 =	ssub.s32 $0x4000, s1;
	s2 =	sadd.s32 $0x8, s12;
	p0 =	sgt.s32 s29, $0x7F  }
0x6e: {  	s3 =	sadd.s32 $0x1, s10;
	s1 =	simm.s32 @p0 $0x0;
	p0 =	slt.s32 s2, $0x15  }
0x6f: {  	[dreg:$0xa] =	wrdreg s14;
	s2 =	simm.s32 @!p0 $0x15;
	p0 =	slt.s32 s3, $0x20  }
0x70: {  	[dreg:$0x9] =	wrdreg s13;
	s21 =	ssub.s32 s2, s12;
	s3 =	simm.s32 @!p0 $0x20  }
0x71: {  	[dreg:$0x7] =	wrdreg s11;
	s22 =	ssub.s32 s3, s10;
	p0 =	slt.s32 s21, $0x1  }
0x72: {  	[dreg:$0x5] =	wrdreg s9;
	p1 =	slt.s32 @!p0 s22, $0x1  }
0x73: {  	[dreg:$0x8] =	wrdreg s12;
	s0 =	smul.u32 s1, s0;
	p1 =	por p0, p1  }
.Ltmp3:
0x74: {  	[dreg:$0x6] =	wrdreg s10;
	s30 =	simm.s32 $0x1;
	(pc) =	sbr.rel @p1 .LBB1_14-.Ltmp3, $4  }
0x75: {  	[dreg:$0x10] =	wrdreg s28;
	s1 =	sand.u32 $0x3FFFFFFF, s0;
	s0 =	sand.u32 $0x1, s8  }
0x76: {  	_ =	swait.ge [sflag:s30], s1;
	s31 =	smul.u32 $0x480, s0  }
0x77: {  	s1 =	ssub.s32 $0x0, s1;
	[sflag:s30] =	ssyncset.done $0x0  }
0x78: {  	[sflag:s30] =	ssyncadd.s32 s1;
	[dreg:$0x11] =	wrdreg s31  }
0x79: {  	s2 =	rddreg [dreg:$0x5]  }
0x7a: {  	s1 =	sadd.s32 $0x80, s2  }
0x7b: {  	p1 =	slt.s32 s1, $0x3FC0  }
.Ltmp4:
0x7c: {  	s1 =	simm.s32 @!p1 $0x3FC0;
	(pc) =	sbr.rel .LBB1_4-.Ltmp4, $4  }
0x7d: {  	s1 =	ssub.s32 s1, s2  }
0x7e: {  	s25 =	sshll.u32 @!p0 s0, $0xA;
	s0 =	rddreg [dreg:$0x11];
	s1 =	sadd.s32 $0xF, s1  }
0x7f: {  	s27 =	simm.s32 $0x0;
	s23 =	sand.u32 $0xFFFFFFF0, s1;
	s24 =	sand.u32 @!p0 $0xFFFFFF00, s1  }
0x80: {  	s26 =	sor.u32 @!p0 $0x800, s0;
	p0 =	slt.s32 s1, $0x100;
	p1 =	sge.s32 s24, s23  }
.LBB1_13:
0x81: {  	s27 =	sadd.s32 $0x1, s27  }
0x82: {  	p2 =	sne.s32 s27, s21  }
.Ltmp5:
0x83: {  	_ = 	snop;
	(pc) =	sbr.rel @!p2 .LBB1_14-.Ltmp5, $1  }
0x84: {  	_ =	sdelay $0x3  }
.LBB1_4:
0x85: {  	s28 =	sshrl.u32 s27, $0x4;
	s0 =	sshll.u32 s27, $0x3;
	s1 =	sshll.u32 s27, $0x9  }
0x86: {  	s29 =	sand.u32 $0x7F, s27;
	s17 =	simm.s32 $0x0;
	s2 =	sand.u32 $0x78, s28  }
0x87: {  	s3 =	sadd.s32 $0x800, s0;
	s5 =	sadd.s32 $0x1000, s0;
	s6 =	sadd.s32 $0x1800, s0  }
0x88: {  	s1 =	sshra.s32 s1, $0x2;
	s19 =	sadd.s32 $0x2800, s0;
	s9 =	sadd.s32 $0x3000, s0  }
0x89: {  	s4 =	smul.u32 $0x24, s2;
	s3 =	sshrl.u32 s3, $0x7;
	s2 =	sxor.u32 $0x40, s2  }
0x8a: {  	s5 =	sshrl.u32 s5, $0x7;
	s3 =	sand.u32 $0x78, s3;
	s2 =	smul.u32 $0x24, s2  }
0x8b: {  	s6 =	sshrl.u32 s6, $0x7;
	s5 =	sand.u32 $0x78, s5;
	s3 =	smul.u32 $0x24, s3  }
0x8c: {  	s9 =	sshrl.u32 s9, $0x7;
	s6 =	sand.u32 $0x78, s6;
	s5 =	smul.u32 $0x24, s5  }
0x8d: {  	s0 =	sadd.s32 $0x3800, s0;
	s20 =	sand.u32 $0x78, s9;
	s7 =	smul.u32 $0x24, s6  }
0x8e: {  	s31 =	sadd.s32 s29, s26;
	s0 =	sshrl.u32 s0, $0x7;
	s9 =	smul.u32 $0x24, s20  }
.Ltmp6:
0x8f: {  	s0 =	sand.u32 $0x78, s0;
	s6 =	sshrl.u32 s19, $0x7;
	(pc) =	sbr.rel .LBB1_5-.Ltmp6, $4  }
0x90: {  	s30 =	sadd.s32 s1, s25;
	s11 =	smul.u32 $0x24, s0;
	s6 =	sand.u32 $0x78, s6  }
0x91: {  	s0 =	sshrl.u32 s4, $0x2;
	s4 =	sshrl.u32 s2, $0x2;
	s10 =	smul.u32 $0x24, s6  }
0x92: {  	s1 =	sshrl.u32 s3, $0x2;
	s6 =	sshrl.u32 s5, $0x2;
	s3 =	sshrl.u32 s7, $0x2  }
0x93: {  	s5 =	sshrl.u32 s9, $0x2;
	s20 =	sshrl.u32 s11, $0x2;
	s2 =	sshrl.u32 s10, $0x2  }
.LBB1_12:
0x94: {  	s17 =	sadd.s32 $0x1, s17  }
0x95: {  	p2 =	sne.s32 s17, s22  }
.Ltmp7:
0x96: {  	_ = 	snop;
	(pc) =	sbr.rel @!p2 .LBB1_13-.Ltmp7, $1  }
0x97: {  	_ =	sdelay $0x3  }
.LBB1_5:
.Ltmp8:
0x98: {  	(pc) =	sbr.rel @p0 .LBB1_9-.Ltmp8, $2  }
0x99: {  	_ =	sdelay $0x2  }
0x9a: {  	s19 =	smul.u32 $0x1200, s17  }
0x9b: {  	s9 =	sshll.u32 s17, $0x7  }
0x9c: {  	s7 =	sshra.s32 s19, $0x2;
	s13 =	sand.u32 $0x380, s9  }
0x9d: {  	s10 =	sadd.s32 s7, s26;
	s18 =	sadd.s32 s13, s30  }
0x9e: {  	s14 =	sadd.s32 s0, s10;
	s11 =	sadd.s32 s1, s10;
	v0 =	vld [tilespmem:s18+$0x70]  }
0x9f: {  	s15 =	sadd.s32 s6, s10;
	s16 =	sadd.s32 s3, s10;
	s12 =	sadd.s32 s4, s10;
	v3 =	vld [tilespmem:s18+$0x60]  }
0xa0: {  	s13 =	sadd.s32 s5, s10;
	v1 =	vld [tilespmem:s18+$0x50];
	s7 =	sadd.s32 s29, s15;
	s15 =	sadd.s32 s29, s16  }
0xa1: {  	v2 =	vld [tilespmem:s18+$0x40];
	s16 =	sadd.s32 s29, s12;
	s12 =	sadd.s32 s2, s10;
	s10 =	sadd.s32 s20, s10  }
0xa2: {  	v4 =	vld [tilespmem:s18+$0x30];
	s10 =	sadd.s32 s29, s10  }
0xa3: {  	v5 =	vld [tilespmem:s18+$0x20];
	s13 =	sadd.s32 s29, s13;
	[tilespmem:s10+$0x0 ss:$0x9] =	vst.msk $0xffff, v0  }
0xa4: {  	v6 =	vld [tilespmem:s18+$0x10];
	s9 =	sadd.s32 s29, s11;
	s11 =	sadd.s32 s29, s12;
	[tilespmem:s13+$0x0 ss:$0x9] =	vst.msk $0xffff, v3  }
0xa5: {  	v7 =	vld [tilespmem:s18+$0x0];
	[tilespmem:s11+$0x0 ss:$0x9] =	vst.msk $0xffff, v1  }
0xa6: {  	[tilespmem:s16+$0x0 ss:$0x9] =	vst.msk $0xffff, v2  }
0xa7: {  	[tilespmem:s15+$0x0 ss:$0x9] =	vst.msk $0xffff, v4  }
0xa8: {  	p2 =	sgt.s32 s24, $0x100;
	[tilespmem:s7+$0x0 ss:$0x9] =	vst.msk $0xffff, v5  }
.Ltmp9:
0xa9: {  	s14 =	sadd.s32 s29, s14;
	[tilespmem:s9+$0x0 ss:$0x9] =	vst.msk $0xffff, v6;
	(pc) =	sbr.rel @!p2 .LBB1_8-.Ltmp9, $4  }
0xaa: {  	[tilespmem:s14+$0x0 ss:$0x9] =	vst.msk $0xffff, v7  }
0xab: {  	[tilespmem:s14+$0x0 ss:$0x9] =	vst.msk $0xffff, v7  }
0xac: {  	[tilespmem:s9+$0x0 ss:$0x9] =	vst.msk $0xffff, v6  }
0xad: {  	s12 =	simm.s32 $0x100;
	[tilespmem:s7+$0x0 ss:$0x9] =	vst.msk $0xffff, v5  }
.LBB1_7:
0xae: {  	v5 =	vld [tilespmem:s18+$0x70];
	[tilespmem:s15+$0x0 ss:$0x9] =	vst.msk $0xffff, v4  }
0xaf: {  	v6 =	vld [tilespmem:s18+$0x60];
	[tilespmem:s16+$0x0 ss:$0x9] =	vst.msk $0xffff, v2  }
0xb0: {  	[tilespmem:s11+$0x0 ss:$0x9] =	vst.msk $0xffff, v1;
	v1 =	vld [tilespmem:s18+$0x50]  }
0xb1: {  	v2 =	vld [tilespmem:s18+$0x40];
	[tilespmem:s13+$0x0 ss:$0x9] =	vst.msk $0xffff, v3  }
0xb2: {  	v4 =	vld [tilespmem:s18+$0x30];
	[tilespmem:s10+$0x0 ss:$0x9] =	vst.msk $0xffff, v0  }
0xb3: {  	v7 =	vld [tilespmem:s18+$0x20];
	[tilespmem:s10+$0x0 ss:$0x9] =	vst.msk $0xffff, v5;
	v0 =	vmov v5  }
0xb4: {  	v5 =	vld [tilespmem:s18+$0x10];
	[tilespmem:s13+$0x0 ss:$0x9] =	vst.msk $0xffff, v6;
	v3 =	vmov v6  }
0xb5: {  	s12 =	sadd.s32 $0x100, s12;
	v6 =	vld [tilespmem:s18+$0x0];
	[tilespmem:s11+$0x0 ss:$0x9] =	vst.msk $0xffff, v1  }
0xb6: {  	p2 =	slt.s32 s12, s24;
	[tilespmem:s16+$0x0 ss:$0x9] =	vst.msk $0xffff, v2  }
0xb7: {  	[tilespmem:s15+$0x0 ss:$0x9] =	vst.msk $0xffff, v4  }
0xb8: {  	[tilespmem:s7+$0x0 ss:$0x9] =	vst.msk $0xffff, v7  }
.Ltmp10:
0xb9: {  	[tilespmem:s9+$0x0 ss:$0x9] =	vst.msk $0xffff, v5;
	(pc) =	sbr.rel @p2 .LBB1_7-.Ltmp10, $4  }
0xba: {  	[tilespmem:s14+$0x0 ss:$0x9] =	vst.msk $0xffff, v6  }
0xbb: {  	[tilespmem:s14+$0x0 ss:$0x9] =	vst.msk $0xffff, v6  }
0xbc: {  	[tilespmem:s9+$0x0 ss:$0x9] =	vst.msk $0xffff, v5  }
0xbd: {  	[tilespmem:s7+$0x0 ss:$0x9] =	vst.msk $0xffff, v7  }
.LBB1_8:
0xbe: {  	[tilespmem:s15+$0x0 ss:$0x9] =	vst.msk $0xffff, v4  }
0xbf: {  	[tilespmem:s16+$0x0 ss:$0x9] =	vst.msk $0xffff, v2  }
0xc0: {  	[tilespmem:s11+$0x0 ss:$0x9] =	vst.msk $0xffff, v1  }
0xc1: {  	[tilespmem:s13+$0x0 ss:$0x9] =	vst.msk $0xffff, v3  }
0xc2: {  	[tilespmem:s10+$0x0 ss:$0x9] =	vst.msk $0xffff, v0  }
.LBB1_9:
.Ltmp11:
0xc3: {  	(pc) =	sbr.rel @p1 .LBB1_12-.Ltmp11, $1  }
0xc4: {  	_ =	sdelay $0x3  }
0xc5: {  	s7 =	sand.u32 $0x7, s17  }
0xc6: {  	s7 =	sadd.s32 s27, s7  }
0xc7: {  	s7 =	sshll.u32 s7, $0x9  }
0xc8: {  	s7 =	sshra.s32 s7, $0x2  }
0xc9: {  	s9 =	sadd.s32 s7, s25  }
0xca: {  	v0 =	vmov s9  }
0xcb: {  	s19 =	sshra.s32 s19, $0x2  }
0xcc: {  	s7 =	sadd.s32 s19, s31;
	s9 =	smov.u32 s24  }
.LBB1_11:
0xcd: {  	s11 =	sadd.s32 s9, s28  }
0xce: {  	s10 =	sand.u32 $0x70, s9;
	s9 =	sadd.s32 $0x10, s9;
	s19 =	sand.u32 $0x78, s11  }
0xcf: {  	v1 =	vld.idx.msk [tilespmem:v0+s10+$0x0 ss:$0x1], $0xffff;
	p2 =	slt.s32 s9, s23;
	s10 =	smul.u32 $0x24, s19  }
.Ltmp12:
0xd0: {  	_ = 	snop;
	(pc) =	sbr.rel @p2 .LBB1_11-.Ltmp12, $4  }
0xd1: {  	_ = 	snop  }
0xd2: {  	s10 =	sshrl.u32 s10, $0x2  }
0xd3: {  	s10 =	sadd.s32 s10, s7  }
0xd4: {  	[tilespmem:s10+$0x0 ss:$0x9] =	vst.msk $0xffff, v1  }
.Ltmp13:
0xd5: {  	_ = 	snop;
	(pc) =	sbr.rel .LBB1_12-.Ltmp13, $1  }
0xd6: {  	_ =	sdelay $0x3  }
.LBB1_16:
0xd7: {  	_ =	sfence.sel $0x180000  }
0xd8: {  	s0 =	simm.s32 $0x1;
	[bflag:$0x0] =	sbarrier.arrive $0xFFFF  }
0xd9: {  	s30 =	simm.s32 $0x2;
	[sflag:s0] =	ssyncpa.u1 $0x1  }
0xda: {  	[sflag:s30] =	ssyncpa.u1 $0x1  }
0xdb: {  	_ =	strace $0x90000047  }
0xdc: {  	s31 =	stileid.u32;
	[bflag:$0x2] =	sbarrier.arrive $0xFFFF  }
0xdd: {  	p0 =	sne.s32 s31, $0x0;
	s0 =	rddreg [dreg:$0x1]  }
0xde: {  	s0 =	sadd.s32 @!p0 $0x100000, s0  }
0xdf: {  	[sflag:s0] =	ssyncadd.tile.s32 @!p0 $0x1;
	_ =	shalt  }
.Lfunc_end1:
_tile_overlayer_lowered:
.L_overlay_start_2:
0xe0: {  	(tag) =	ssettag $0x2  }
0xe1: {  	s0 =	rddreg [dreg:$0x0];
	s2 =	stileid.u32  }
0xe2: {  	s1 =	rddreg [dreg:$0x1];
	p0 =	sne.s32 s2, $0x0  }
0xe3: {  	s3 =	rddreg [dreg:$0x2];
	[bflag:$0x3] =	sbarrier.arrive $0xFFFF;
	s2 =	simm.s32 @!p0 $0x1C01  }
0xe4: {  	[timem:s3], [sflag:s2] =	dma.local @!p0 [hbm:s0], s1  }
0xe5: {  	s0 =	simm.s32 @!p0 $0x1  }
0xe6: {  	_ =	swait.ge @!p0 [sflag:s0], s1  }
0xe7: {  	s1 =	ssub.s32 @!p0 $0x0, s1;
	[sflag:s0] =	ssyncset.done @!p0 $0x0  }
0xe8: {  	[sflag:s0] =	ssyncadd.s32 @!p0 s1  }
0xe9: {  	[bflag:$0x3] =	sbarrier.arrive $0xFFFF  }
0xea: {  	_ =	shalt  }

</sc_bundles>
